<compile_context>
chip_gen: v7x
topology: tpu7x:2x2x1
jax: 0.10.2.dev20260603
libtpu: 0.0.44.dev20260713+nightly
codegen_flags: <defaults>
</compile_context>

<pallas_src>
import functools

import jax
import jax.numpy as jnp
from jax import lax
from jax.experimental import pallas as pl
from jax.experimental.pallas import tpu as pltpu
from jax.experimental.pallas import tpu_sc as plsc

_P = 0.5
_SCALE = 1.0 / (1.0 - _P)

_M = 16384
_N = 4096
_NW = 32
_ROWS_PER_W = _M // _NW
_R = 4
_NCHUNKS = _ROWS_PER_W // _R
_NPAIRS = _NCHUNKS // 2
_NV = _N // 16


def _sc_body(in_hbm, mask_hbm, out_hbm,
             mask_v, scale_v, in_a, in_b, out_a, out_b,
             in_sem_a, in_sem_b, out_sem_a, out_sem_b):
    wid = lax.axis_index("s") * 2 + lax.axis_index("c")
    base_row = wid * _ROWS_PER_W

    pltpu.sync_copy(mask_hbm, mask_v)

    @functools.partial(plsc.parallel_loop, 0, _NV, unroll=4)
    def _(c):
        m = mask_v[pl.ds(c * 16, 16)]
        scale_v[pl.ds(c * 16, 16)] = jnp.where(
            m > _P, jnp.float32(_SCALE), jnp.float32(0.0)
        )

    def in_slice(g):
        return in_hbm.at[pl.ds(base_row + g * _R, _R), :]

    def out_slice(g):
        return out_hbm.at[pl.ds(base_row + g * _R, _R), :]

    def start_in(g, buf, sem):
        pltpu.async_copy(in_slice(g), buf, sem)

    def compute(src, dst):
        @functools.partial(plsc.parallel_loop, 0, _NV, unroll=4)
        def _(c):
            s = scale_v[pl.ds(c * 16, 16)]
            for r in range(_R):
                dst[r, pl.ds(c * 16, 16)] = src[r, pl.ds(c * 16, 16)] * s

    def do_chunk(g, in_buf, in_sem, out_buf, out_sem,
                 wait_out_first, next_g):
        pltpu.make_async_copy(in_slice(g), in_buf, in_sem).wait()
        if wait_out_first:
            pltpu.make_async_copy(out_buf, out_slice(g), out_sem).wait()
        compute(in_buf, out_buf)
        pltpu.async_copy(out_buf, out_slice(g), out_sem)
        if next_g is not None:
            start_in(next_g, in_buf, in_sem)

    start_in(0, in_a, in_sem_a)
    start_in(1, in_b, in_sem_b)

    do_chunk(0, in_a, in_sem_a, out_a, out_sem_a, False, 2)
    do_chunk(1, in_b, in_sem_b, out_b, out_sem_b, False, 3)

    def pair_body(i, _):
        g = i * 2
        do_chunk(g, in_a, in_sem_a, out_a, out_sem_a, True, g + 2)
        do_chunk(g + 1, in_b, in_sem_b, out_b, out_sem_b, True, g + 3)
        return 0

    lax.fori_loop(1, _NPAIRS - 1, pair_body, 0)

    g_last = (_NPAIRS - 1) * 2
    do_chunk(g_last, in_a, in_sem_a, out_a, out_sem_a, True, None)
    do_chunk(g_last + 1, in_b, in_sem_b, out_b, out_sem_b, True, None)

    pltpu.make_async_copy(out_a, out_slice(g_last), out_sem_a).wait()
    pltpu.make_async_copy(out_b, out_slice(g_last + 1), out_sem_b).wait()


def kernel(input, mask_u):
    mesh = plsc.VectorSubcoreMesh(core_axis_name="c", subcore_axis_name="s")
    k = functools.partial(
        pl.kernel,
        mesh=mesh,
        out_type=jax.ShapeDtypeStruct((_M, _N), jnp.float32),
        scratch_types=[
            pltpu.VMEM((_N,), jnp.float32),
            pltpu.VMEM((_N,), jnp.float32),
            pltpu.VMEM((_R, _N), jnp.float32),
            pltpu.VMEM((_R, _N), jnp.float32),
            pltpu.VMEM((_R, _N), jnp.float32),
            pltpu.VMEM((_R, _N), jnp.float32),
            pltpu.SemaphoreType.DMA,
            pltpu.SemaphoreType.DMA,
            pltpu.SemaphoreType.DMA,
            pltpu.SemaphoreType.DMA,
        ],
    )(_sc_body)
    return k(input, mask_u)

# --- scband reference (transcript-rebuilt; emitter-appended) ---
"""Pipeline reference for scband-dropout-shared-12438225289626 (READ-ONLY COPY).

The authoritative reference and input builder live on the scoring server;
editing this copy changes nothing except your own understanding.
"""

import jax, jax.numpy as jnp
import numpy as np

P = 0.5

def setup_inputs(seed: int = 0) -> dict:
    key = jax.random.key(seed)
    k1, k2 = jax.random.split(key)
    input = jax.random.normal(k1, (16384, 4096), dtype=jnp.float32)
    # mask_u plays the role of torch.Tensor(D).uniform_(0,1): the shared per-column RNG draw
    mask_u = jax.random.uniform(k2, (4096,), dtype=jnp.float32)
    return {"input": input, "mask_u": mask_u}

def reference(input, mask_u):
    # DropoutShared (training mode): zero entire columns where uniform draw <= p,
    # shared across the batch dimension, then scale by 1/(1-p).
    keep = (mask_u > P).astype(input.dtype)  # columns with u <= p are dropped
    out = input * keep[None, :] / (1.0 - P)
    return out

if __name__ == "__main__":
    import jax
    _d = setup_inputs()
    print(jax.jit(kernel)(*tuple(_d.values())))

</pallas_src>

<mosaic_0001>
#map = affine_map<(d0, d1) -> (0, 0)>
#map1 = affine_map<(d0, d1) -> (0)>
module attributes {stable_mosaic.version = 14 : i64} {
  func.func @_sc_body(%arg0: i32, %arg1: i32, %arg2: memref<16384x4096xf32, #tpu.memory_space<hbm>>, %arg3: memref<4096xf32, #tpu.memory_space<hbm>>, %arg4: memref<16384x4096xf32, #tpu.memory_space<hbm>>, %arg5: memref<4096xf32, #tpu.memory_space<vmem>>, %arg6: memref<4096xf32, #tpu.memory_space<vmem>>, %arg7: memref<4x4096xf32, #tpu.memory_space<vmem>>, %arg8: memref<4x4096xf32, #tpu.memory_space<vmem>>, %arg9: memref<4x4096xf32, #tpu.memory_space<vmem>>, %arg10: memref<4x4096xf32, #tpu.memory_space<vmem>>, %arg11: memref<!tpu.dma_semaphore, #tpu.memory_space<semaphore_mem>>, %arg12: memref<!tpu.dma_semaphore, #tpu.memory_space<semaphore_mem>>, %arg13: memref<!tpu.dma_semaphore, #tpu.memory_space<semaphore_mem>>, %arg14: memref<!tpu.dma_semaphore, #tpu.memory_space<semaphore_mem>>) attributes {dimension_semantics = [#tpu.dimension_semantics<core_parallel>, #tpu.dimension_semantics<subcore_parallel>], iteration_bounds = array<i64: 2, 16>, scalar_prefetch = 0 : i64, scratch_operands = 10 : i64, tpu.core_type = #tpu.core_type<sc_vector_subcore>, window_params = [{transform_indices = #map}, {transform_indices = #map1}, {transform_indices = #map}]} {
    %mul3A = arith.constant 2 : i32
    %mul3A_0 = arith.muli %arg1, %mul3A : i32
    %add3A = arith.addi %mul3A_0, %arg0 : i32
    %mul3A_1 = arith.constant 512 : i32
    %mul3A_2 = arith.muli %add3A, %mul3A_1 : i32
    "tpu.region"() ({
      %run_scoped3A = tpu.sem_alloc : memref<!tpu.dma_semaphore, #tpu.memory_space<semaphore_mem>>
      tpu.enqueue_dma source(%arg3 : memref<4096xf32, #tpu.memory_space<hbm>>) target(%arg5 : memref<4096xf32, #tpu.memory_space<vmem>>) target_semaphore(%run_scoped3A : memref<!tpu.dma_semaphore, #tpu.memory_space<semaphore_mem>>)
      tpu.wait_dma2 semaphore(%run_scoped3A : memref<!tpu.dma_semaphore, #tpu.memory_space<semaphore_mem>>) src(%arg3 : memref<4096xf32, #tpu.memory_space<hbm>>) dst(%arg5 : memref<4096xf32, #tpu.memory_space<vmem>>)
      tpu.yield
    }) : () -> ()
    %add3A_3 = arith.constant 0 : i32
    %add3A_4 = arith.addi %mul3A_2, %add3A_3 : i32
    %dma_start3A = arith.constant 0 : i32
    %dma_start3A_5 = tpu.memref_slice %arg2[%add3A_4, %dma_start3A] : memref<16384x4096xf32, #tpu.memory_space<hbm>> -> memref<4x4096xf32, #tpu.memory_space<hbm>>
    %dma_start3A_6 = arith.constant 0 : i32
    %dma_start3A_7 = tpu.memref_slice %arg2[%add3A_4, %dma_start3A_6] : memref<16384x4096xf32, #tpu.memory_space<hbm>> -> memref<4x4096xf32, #tpu.memory_space<hbm>>
    tpu.enqueue_dma source(%dma_start3A_7 : memref<4x4096xf32, #tpu.memory_space<hbm>>) target(%arg7 : memref<4x4096xf32, #tpu.memory_space<vmem>>) target_semaphore(%arg11 : memref<!tpu.dma_semaphore, #tpu.memory_space<semaphore_mem>>)
    %add3A_8 = arith.constant 4 : i32
    %add3A_9 = arith.addi %mul3A_2, %add3A_8 : i32
    %dma_start3A_10 = arith.constant 0 : i32
    %dma_start3A_11 = tpu.memref_slice %arg2[%add3A_9, %dma_start3A_10] : memref<16384x4096xf32, #tpu.memory_space<hbm>> -> memref<4x4096xf32, #tpu.memory_space<hbm>>
    %dma_start3A_12 = arith.constant 0 : i32
    %dma_start3A_13 = tpu.memref_slice %arg2[%add3A_9, %dma_start3A_12] : memref<16384x4096xf32, #tpu.memory_space<hbm>> -> memref<4x4096xf32, #tpu.memory_space<hbm>>
    tpu.enqueue_dma source(%dma_start3A_13 : memref<4x4096xf32, #tpu.memory_space<hbm>>) target(%arg8 : memref<4x4096xf32, #tpu.memory_space<vmem>>) target_semaphore(%arg12 : memref<!tpu.dma_semaphore, #tpu.memory_space<semaphore_mem>>)
    %add3A_14 = arith.constant 0 : i32
    %add3A_15 = arith.addi %mul3A_2, %add3A_14 : i32
    %dma_wait3A = arith.constant 0 : i32
    %dma_wait3A_16 = tpu.memref_slice %arg2[%add3A_15, %dma_wait3A] : memref<16384x4096xf32, #tpu.memory_space<hbm>> -> memref<4x4096xf32, #tpu.memory_space<hbm>>
    %dma_wait3A_17 = arith.constant 0 : i32
    %dma_wait3A_18 = tpu.memref_slice %arg2[%add3A_15, %dma_wait3A_17] : memref<16384x4096xf32, #tpu.memory_space<hbm>> -> memref<4x4096xf32, #tpu.memory_space<hbm>>
    tpu.wait_dma2 semaphore(%arg11 : memref<!tpu.dma_semaphore, #tpu.memory_space<semaphore_mem>>) src(%dma_wait3A_18 : memref<4x4096xf32, #tpu.memory_space<hbm>>) dst(%arg7 : memref<4x4096xf32, #tpu.memory_space<vmem>>)
    %add3A_19 = arith.constant 0 : i32
    %add3A_20 = arith.addi %mul3A_2, %add3A_19 : i32
    %dma_start3A_21 = arith.constant 0 : i32
    %dma_start3A_22 = tpu.memref_slice %arg4[%add3A_20, %dma_start3A_21] : memref<16384x4096xf32, #tpu.memory_space<hbm>> -> memref<4x4096xf32, #tpu.memory_space<hbm>>
    %dma_start3A_23 = arith.constant 0 : i32
    %dma_start3A_24 = tpu.memref_slice %arg4[%add3A_20, %dma_start3A_23] : memref<16384x4096xf32, #tpu.memory_space<hbm>> -> memref<4x4096xf32, #tpu.memory_space<hbm>>
    tpu.enqueue_dma source(%arg9 : memref<4x4096xf32, #tpu.memory_space<vmem>>) target(%dma_start3A_24 : memref<4x4096xf32, #tpu.memory_space<hbm>>) target_semaphore(%arg13 : memref<!tpu.dma_semaphore, #tpu.memory_space<semaphore_mem>>)
    %add3A_25 = arith.constant 8 : i32
    %add3A_26 = arith.addi %mul3A_2, %add3A_25 : i32
    %dma_start3A_27 = arith.constant 0 : i32
    %dma_start3A_28 = tpu.memref_slice %arg2[%add3A_26, %dma_start3A_27] : memref<16384x4096xf32, #tpu.memory_space<hbm>> -> memref<4x4096xf32, #tpu.memory_space<hbm>>
    %dma_start3A_29 = arith.constant 0 : i32
    %dma_start3A_30 = tpu.memref_slice %arg2[%add3A_26, %dma_start3A_29] : memref<16384x4096xf32, #tpu.memory_space<hbm>> -> memref<4x4096xf32, #tpu.memory_space<hbm>>
    tpu.enqueue_dma source(%dma_start3A_30 : memref<4x4096xf32, #tpu.memory_space<hbm>>) target(%arg7 : memref<4x4096xf32, #tpu.memory_space<vmem>>) target_semaphore(%arg11 : memref<!tpu.dma_semaphore, #tpu.memory_space<semaphore_mem>>)
    %add3A_31 = arith.constant 4 : i32
    %add3A_32 = arith.addi %mul3A_2, %add3A_31 : i32
    %dma_wait3A_33 = arith.constant 0 : i32
    %dma_wait3A_34 = tpu.memref_slice %arg2[%add3A_32, %dma_wait3A_33] : memref<16384x4096xf32, #tpu.memory_space<hbm>> -> memref<4x4096xf32, #tpu.memory_space<hbm>>
    %dma_wait3A_35 = arith.constant 0 : i32
    %dma_wait3A_36 = tpu.memref_slice %arg2[%add3A_32, %dma_wait3A_35] : memref<16384x4096xf32, #tpu.memory_space<hbm>> -> memref<4x4096xf32, #tpu.memory_space<hbm>>
    tpu.wait_dma2 semaphore(%arg12 : memref<!tpu.dma_semaphore, #tpu.memory_space<semaphore_mem>>) src(%dma_wait3A_36 : memref<4x4096xf32, #tpu.memory_space<hbm>>) dst(%arg8 : memref<4x4096xf32, #tpu.memory_space<vmem>>)
    %add3A_37 = arith.constant 4 : i32
    %add3A_38 = arith.addi %mul3A_2, %add3A_37 : i32
    %dma_start3A_39 = arith.constant 0 : i32
    %dma_start3A_40 = tpu.memref_slice %arg4[%add3A_38, %dma_start3A_39] : memref<16384x4096xf32, #tpu.memory_space<hbm>> -> memref<4x4096xf32, #tpu.memory_space<hbm>>
    %dma_start3A_41 = arith.constant 0 : i32
    %dma_start3A_42 = tpu.memref_slice %arg4[%add3A_38, %dma_start3A_41] : memref<16384x4096xf32, #tpu.memory_space<hbm>> -> memref<4x4096xf32, #tpu.memory_space<hbm>>
    tpu.enqueue_dma source(%arg10 : memref<4x4096xf32, #tpu.memory_space<vmem>>) target(%dma_start3A_42 : memref<4x4096xf32, #tpu.memory_space<hbm>>) target_semaphore(%arg14 : memref<!tpu.dma_semaphore, #tpu.memory_space<semaphore_mem>>)
    %add3A_43 = arith.constant 12 : i32
    %add3A_44 = arith.addi %mul3A_2, %add3A_43 : i32
    %dma_start3A_45 = arith.constant 0 : i32
    %dma_start3A_46 = tpu.memref_slice %arg2[%add3A_44, %dma_start3A_45] : memref<16384x4096xf32, #tpu.memory_space<hbm>> -> memref<4x4096xf32, #tpu.memory_space<hbm>>
    %dma_start3A_47 = arith.constant 0 : i32
    %dma_start3A_48 = tpu.memref_slice %arg2[%add3A_44, %dma_start3A_47] : memref<16384x4096xf32, #tpu.memory_space<hbm>> -> memref<4x4096xf32, #tpu.memory_space<hbm>>
    tpu.enqueue_dma source(%dma_start3A_48 : memref<4x4096xf32, #tpu.memory_space<hbm>>) target(%arg8 : memref<4x4096xf32, #tpu.memory_space<vmem>>) target_semaphore(%arg12 : memref<!tpu.dma_semaphore, #tpu.memory_space<semaphore_mem>>)
    %scan3A = arith.constant 0 : i32
    %scan3A_49 = arith.constant 1 : i32
    %scan3A_50 = arith.constant 62 : i32
    %scan3A_51 = arith.addi %scan3A_49, %scan3A_50 : i32
    %scan3A_52 = arith.constant 1 : i32
    %scan3A_53 = scf.for %scan3A_103 = %scan3A_49 to %scan3A_51 step %scan3A_52 iter_args(%scan3A_104 = %scan3A) -> (i32)  : i32 {
      %mul3A_105 = arith.constant 2 : i32
      %mul3A_106 = arith.muli %scan3A_103, %mul3A_105 : i32
      %add3A_107 = arith.constant 2 : i32
      %add3A_108 = arith.addi %mul3A_106, %add3A_107 : i32
      %mul3A_109 = arith.constant 4 : i32
      %mul3A_110 = arith.muli %mul3A_106, %mul3A_109 : i32
      %add3A_111 = arith.addi %mul3A_2, %mul3A_110 : i32
      %dma_wait3A_112 = arith.constant 0 : i32
      %dma_wait3A_113 = tpu.memref_slice %arg2[%add3A_111, %dma_wait3A_112] : memref<16384x4096xf32, #tpu.memory_space<hbm>> -> memref<4x4096xf32, #tpu.memory_space<hbm>>
      %dma_wait3A_114 = arith.constant 0 : i32
      %dma_wait3A_115 = tpu.memref_slice %arg2[%add3A_111, %dma_wait3A_114] : memref<16384x4096xf32, #tpu.memory_space<hbm>> -> memref<4x4096xf32, #tpu.memory_space<hbm>>
      tpu.wait_dma2 semaphore(%arg11 : memref<!tpu.dma_semaphore, #tpu.memory_space<semaphore_mem>>) src(%dma_wait3A_115 : memref<4x4096xf32, #tpu.memory_space<hbm>>) dst(%arg7 : memref<4x4096xf32, #tpu.memory_space<vmem>>)
      %mul3A_116 = arith.constant 4 : i32
      %mul3A_117 = arith.muli %mul3A_106, %mul3A_116 : i32
      %add3A_118 = arith.addi %mul3A_2, %mul3A_117 : i32
      %dma_wait3A_119 = arith.constant 0 : i32
      %dma_wait3A_120 = tpu.memref_slice %arg4[%add3A_118, %dma_wait3A_119] : memref<16384x4096xf32, #tpu.memory_space<hbm>> -> memref<4x4096xf32, #tpu.memory_space<hbm>>
      %dma_wait3A_121 = arith.constant 0 : i32
      %dma_wait3A_122 = tpu.memref_slice %arg4[%add3A_118, %dma_wait3A_121] : memref<16384x4096xf32, #tpu.memory_space<hbm>> -> memref<4x4096xf32, #tpu.memory_space<hbm>>
      tpu.wait_dma2 semaphore(%arg13 : memref<!tpu.dma_semaphore, #tpu.memory_space<semaphore_mem>>) src(%arg9 : memref<4x4096xf32, #tpu.memory_space<vmem>>) dst(%dma_wait3A_122 : memref<4x4096xf32, #tpu.memory_space<hbm>>)
      %mul3A_123 = arith.constant 4 : i32
      %mul3A_124 = arith.muli %mul3A_106, %mul3A_123 : i32
      %add3A_125 = arith.addi %mul3A_2, %mul3A_124 : i32
      %dma_start3A_126 = arith.constant 0 : i32
      %dma_start3A_127 = tpu.memref_slice %arg4[%add3A_125, %dma_start3A_126] : memref<16384x4096xf32, #tpu.memory_space<hbm>> -> memref<4x4096xf32, #tpu.memory_space<hbm>>
      %dma_start3A_128 = arith.constant 0 : i32
      %dma_start3A_129 = tpu.memref_slice %arg4[%add3A_125, %dma_start3A_128] : memref<16384x4096xf32, #tpu.memory_space<hbm>> -> memref<4x4096xf32, #tpu.memory_space<hbm>>
      tpu.enqueue_dma source(%arg9 : memref<4x4096xf32, #tpu.memory_space<vmem>>) target(%dma_start3A_129 : memref<4x4096xf32, #tpu.memory_space<hbm>>) target_semaphore(%arg13 : memref<!tpu.dma_semaphore, #tpu.memory_space<semaphore_mem>>)
      %mul3A_130 = arith.constant 4 : i32
      %mul3A_131 = arith.muli %add3A_108, %mul3A_130 : i32
      %add3A_132 = arith.addi %mul3A_2, %mul3A_131 : i32
      %dma_start3A_133 = arith.constant 0 : i32
      %dma_start3A_134 = tpu.memref_slice %arg2[%add3A_132, %dma_start3A_133] : memref<16384x4096xf32, #tpu.memory_space<hbm>> -> memref<4x4096xf32, #tpu.memory_space<hbm>>
      %dma_start3A_135 = arith.constant 0 : i32
      %dma_start3A_136 = tpu.memref_slice %arg2[%add3A_132, %dma_start3A_135] : memref<16384x4096xf32, #tpu.memory_space<hbm>> -> memref<4x4096xf32, #tpu.memory_space<hbm>>
      tpu.enqueue_dma source(%dma_start3A_136 : memref<4x4096xf32, #tpu.memory_space<hbm>>) target(%arg7 : memref<4x4096xf32, #tpu.memory_space<vmem>>) target_semaphore(%arg11 : memref<!tpu.dma_semaphore, #tpu.memory_space<semaphore_mem>>)
      %add3A_137 = arith.constant 1 : i32
      %add3A_138 = arith.addi %mul3A_106, %add3A_137 : i32
      %add3A_139 = arith.constant 3 : i32
      %add3A_140 = arith.addi %mul3A_106, %add3A_139 : i32
      %mul3A_141 = arith.constant 4 : i32
      %mul3A_142 = arith.muli %add3A_138, %mul3A_141 : i32
      %add3A_143 = arith.addi %mul3A_2, %mul3A_142 : i32
      %dma_wait3A_144 = arith.constant 0 : i32
      %dma_wait3A_145 = tpu.memref_slice %arg2[%add3A_143, %dma_wait3A_144] : memref<16384x4096xf32, #tpu.memory_space<hbm>> -> memref<4x4096xf32, #tpu.memory_space<hbm>>
      %dma_wait3A_146 = arith.constant 0 : i32
      %dma_wait3A_147 = tpu.memref_slice %arg2[%add3A_143, %dma_wait3A_146] : memref<16384x4096xf32, #tpu.memory_space<hbm>> -> memref<4x4096xf32, #tpu.memory_space<hbm>>
      tpu.wait_dma2 semaphore(%arg12 : memref<!tpu.dma_semaphore, #tpu.memory_space<semaphore_mem>>) src(%dma_wait3A_147 : memref<4x4096xf32, #tpu.memory_space<hbm>>) dst(%arg8 : memref<4x4096xf32, #tpu.memory_space<vmem>>)
      %mul3A_148 = arith.constant 4 : i32
      %mul3A_149 = arith.muli %add3A_138, %mul3A_148 : i32
      %add3A_150 = arith.addi %mul3A_2, %mul3A_149 : i32
      %dma_wait3A_151 = arith.constant 0 : i32
      %dma_wait3A_152 = tpu.memref_slice %arg4[%add3A_150, %dma_wait3A_151] : memref<16384x4096xf32, #tpu.memory_space<hbm>> -> memref<4x4096xf32, #tpu.memory_space<hbm>>
      %dma_wait3A_153 = arith.constant 0 : i32
      %dma_wait3A_154 = tpu.memref_slice %arg4[%add3A_150, %dma_wait3A_153] : memref<16384x4096xf32, #tpu.memory_space<hbm>> -> memref<4x4096xf32, #tpu.memory_space<hbm>>
      tpu.wait_dma2 semaphore(%arg14 : memref<!tpu.dma_semaphore, #tpu.memory_space<semaphore_mem>>) src(%arg10 : memref<4x4096xf32, #tpu.memory_space<vmem>>) dst(%dma_wait3A_154 : memref<4x4096xf32, #tpu.memory_space<hbm>>)
      %mul3A_155 = arith.constant 4 : i32
      %mul3A_156 = arith.muli %add3A_138, %mul3A_155 : i32
      %add3A_157 = arith.addi %mul3A_2, %mul3A_156 : i32
      %dma_start3A_158 = arith.constant 0 : i32
      %dma_start3A_159 = tpu.memref_slice %arg4[%add3A_157, %dma_start3A_158] : memref<16384x4096xf32, #tpu.memory_space<hbm>> -> memref<4x4096xf32, #tpu.memory_space<hbm>>
      %dma_start3A_160 = arith.constant 0 : i32
      %dma_start3A_161 = tpu.memref_slice %arg4[%add3A_157, %dma_start3A_160] : memref<16384x4096xf32, #tpu.memory_space<hbm>> -> memref<4x4096xf32, #tpu.memory_space<hbm>>
      tpu.enqueue_dma source(%arg10 : memref<4x4096xf32, #tpu.memory_space<vmem>>) target(%dma_start3A_161 : memref<4x4096xf32, #tpu.memory_space<hbm>>) target_semaphore(%arg14 : memref<!tpu.dma_semaphore, #tpu.memory_space<semaphore_mem>>)
      %mul3A_162 = arith.constant 4 : i32
      %mul3A_163 = arith.muli %add3A_140, %mul3A_162 : i32
      %add3A_164 = arith.addi %mul3A_2, %mul3A_163 : i32
      %dma_start3A_165 = arith.constant 0 : i32
      %dma_start3A_166 = tpu.memref_slice %arg2[%add3A_164, %dma_start3A_165] : memref<16384x4096xf32, #tpu.memory_space<hbm>> -> memref<4x4096xf32, #tpu.memory_space<hbm>>
      %dma_start3A_167 = arith.constant 0 : i32
      %dma_start3A_168 = tpu.memref_slice %arg2[%add3A_164, %dma_start3A_167] : memref<16384x4096xf32, #tpu.memory_space<hbm>> -> memref<4x4096xf32, #tpu.memory_space<hbm>>
      tpu.enqueue_dma source(%dma_start3A_168 : memref<4x4096xf32, #tpu.memory_space<hbm>>) target(%arg8 : memref<4x4096xf32, #tpu.memory_space<vmem>>) target_semaphore(%arg12 : memref<!tpu.dma_semaphore, #tpu.memory_space<semaphore_mem>>)
      %scan3A_169 = arith.constant 0 : i32
      scf.yield %scan3A_169 : i32
    }
    %scan3A_54 = arith.constant 62 : i32
    %add3A_55 = arith.constant 504 : i32
    %add3A_56 = arith.addi %mul3A_2, %add3A_55 : i32
    %dma_wait3A_57 = arith.constant 0 : i32
    %dma_wait3A_58 = tpu.memref_slice %arg2[%add3A_56, %dma_wait3A_57] : memref<16384x4096xf32, #tpu.memory_space<hbm>> -> memref<4x4096xf32, #tpu.memory_space<hbm>>
    %dma_wait3A_59 = arith.constant 0 : i32
    %dma_wait3A_60 = tpu.memref_slice %arg2[%add3A_56, %dma_wait3A_59] : memref<16384x4096xf32, #tpu.memory_space<hbm>> -> memref<4x4096xf32, #tpu.memory_space<hbm>>
    tpu.wait_dma2 semaphore(%arg11 : memref<!tpu.dma_semaphore, #tpu.memory_space<semaphore_mem>>) src(%dma_wait3A_60 : memref<4x4096xf32, #tpu.memory_space<hbm>>) dst(%arg7 : memref<4x4096xf32, #tpu.memory_space<vmem>>)
    %add3A_61 = arith.constant 504 : i32
    %add3A_62 = arith.addi %mul3A_2, %add3A_61 : i32
    %dma_wait3A_63 = arith.constant 0 : i32
    %dma_wait3A_64 = tpu.memref_slice %arg4[%add3A_62, %dma_wait3A_63] : memref<16384x4096xf32, #tpu.memory_space<hbm>> -> memref<4x4096xf32, #tpu.memory_space<hbm>>
    %dma_wait3A_65 = arith.constant 0 : i32
    %dma_wait3A_66 = tpu.memref_slice %arg4[%add3A_62, %dma_wait3A_65] : memref<16384x4096xf32, #tpu.memory_space<hbm>> -> memref<4x4096xf32, #tpu.memory_space<hbm>>
    tpu.wait_dma2 semaphore(%arg13 : memref<!tpu.dma_semaphore, #tpu.memory_space<semaphore_mem>>) src(%arg9 : memref<4x4096xf32, #tpu.memory_space<vmem>>) dst(%dma_wait3A_66 : memref<4x4096xf32, #tpu.memory_space<hbm>>)
    %add3A_67 = arith.constant 504 : i32
    %add3A_68 = arith.addi %mul3A_2, %add3A_67 : i32
    %dma_start3A_69 = arith.constant 0 : i32
    %dma_start3A_70 = tpu.memref_slice %arg4[%add3A_68, %dma_start3A_69] : memref<16384x4096xf32, #tpu.memory_space<hbm>> -> memref<4x4096xf32, #tpu.memory_space<hbm>>
    %dma_start3A_71 = arith.constant 0 : i32
    %dma_start3A_72 = tpu.memref_slice %arg4[%add3A_68, %dma_start3A_71] : memref<16384x4096xf32, #tpu.memory_space<hbm>> -> memref<4x4096xf32, #tpu.memory_space<hbm>>
    tpu.enqueue_dma source(%arg9 : memref<4x4096xf32, #tpu.memory_space<vmem>>) target(%dma_start3A_72 : memref<4x4096xf32, #tpu.memory_space<hbm>>) target_semaphore(%arg13 : memref<!tpu.dma_semaphore, #tpu.memory_space<semaphore_mem>>)
    %add3A_73 = arith.constant 508 : i32
    %add3A_74 = arith.addi %mul3A_2, %add3A_73 : i32
    %dma_wait3A_75 = arith.constant 0 : i32
    %dma_wait3A_76 = tpu.memref_slice %arg2[%add3A_74, %dma_wait3A_75] : memref<16384x4096xf32, #tpu.memory_space<hbm>> -> memref<4x4096xf32, #tpu.memory_space<hbm>>
    %dma_wait3A_77 = arith.constant 0 : i32
    %dma_wait3A_78 = tpu.memref_slice %arg2[%add3A_74, %dma_wait3A_77] : memref<16384x4096xf32, #tpu.memory_space<hbm>> -> memref<4x4096xf32, #tpu.memory_space<hbm>>
    tpu.wait_dma2 semaphore(%arg12 : memref<!tpu.dma_semaphore, #tpu.memory_space<semaphore_mem>>) src(%dma_wait3A_78 : memref<4x4096xf32, #tpu.memory_space<hbm>>) dst(%arg8 : memref<4x4096xf32, #tpu.memory_space<vmem>>)
    %add3A_79 = arith.constant 508 : i32
    %add3A_80 = arith.addi %mul3A_2, %add3A_79 : i32
    %dma_wait3A_81 = arith.constant 0 : i32
    %dma_wait3A_82 = tpu.memref_slice %arg4[%add3A_80, %dma_wait3A_81] : memref<16384x4096xf32, #tpu.memory_space<hbm>> -> memref<4x4096xf32, #tpu.memory_space<hbm>>
    %dma_wait3A_83 = arith.constant 0 : i32
    %dma_wait3A_84 = tpu.memref_slice %arg4[%add3A_80, %dma_wait3A_83] : memref<16384x4096xf32, #tpu.memory_space<hbm>> -> memref<4x4096xf32, #tpu.memory_space<hbm>>
    tpu.wait_dma2 semaphore(%arg14 : memref<!tpu.dma_semaphore, #tpu.memory_space<semaphore_mem>>) src(%arg10 : memref<4x4096xf32, #tpu.memory_space<vmem>>) dst(%dma_wait3A_84 : memref<4x4096xf32, #tpu.memory_space<hbm>>)
    %add3A_85 = arith.constant 508 : i32
    %add3A_86 = arith.addi %mul3A_2, %add3A_85 : i32
    %dma_start3A_87 = arith.constant 0 : i32
    %dma_start3A_88 = tpu.memref_slice %arg4[%add3A_86, %dma_start3A_87] : memref<16384x4096xf32, #tpu.memory_space<hbm>> -> memref<4x4096xf32, #tpu.memory_space<hbm>>
    %dma_start3A_89 = arith.constant 0 : i32
    %dma_start3A_90 = tpu.memref_slice %arg4[%add3A_86, %dma_start3A_89] : memref<16384x4096xf32, #tpu.memory_space<hbm>> -> memref<4x4096xf32, #tpu.memory_space<hbm>>
    tpu.enqueue_dma source(%arg10 : memref<4x4096xf32, #tpu.memory_space<vmem>>) target(%dma_start3A_90 : memref<4x4096xf32, #tpu.memory_space<hbm>>) target_semaphore(%arg14 : memref<!tpu.dma_semaphore, #tpu.memory_space<semaphore_mem>>)
    %add3A_91 = arith.constant 504 : i32
    %add3A_92 = arith.addi %mul3A_2, %add3A_91 : i32
    %dma_wait3A_93 = arith.constant 0 : i32
    %dma_wait3A_94 = tpu.memref_slice %arg4[%add3A_92, %dma_wait3A_93] : memref<16384x4096xf32, #tpu.memory_space<hbm>> -> memref<4x4096xf32, #tpu.memory_space<hbm>>
    %dma_wait3A_95 = arith.constant 0 : i32
    %dma_wait3A_96 = tpu.memref_slice %arg4[%add3A_92, %dma_wait3A_95] : memref<16384x4096xf32, #tpu.memory_space<hbm>> -> memref<4x4096xf32, #tpu.memory_space<hbm>>
    tpu.wait_dma2 semaphore(%arg13 : memref<!tpu.dma_semaphore, #tpu.memory_space<semaphore_mem>>) src(%arg9 : memref<4x4096xf32, #tpu.memory_space<vmem>>) dst(%dma_wait3A_96 : memref<4x4096xf32, #tpu.memory_space<hbm>>)
    %add3A_97 = arith.constant 508 : i32
    %add3A_98 = arith.addi %mul3A_2, %add3A_97 : i32
    %dma_wait3A_99 = arith.constant 0 : i32
    %dma_wait3A_100 = tpu.memref_slice %arg4[%add3A_98, %dma_wait3A_99] : memref<16384x4096xf32, #tpu.memory_space<hbm>> -> memref<4x4096xf32, #tpu.memory_space<hbm>>
    %dma_wait3A_101 = arith.constant 0 : i32
    %dma_wait3A_102 = tpu.memref_slice %arg4[%add3A_98, %dma_wait3A_101] : memref<16384x4096xf32, #tpu.memory_space<hbm>> -> memref<4x4096xf32, #tpu.memory_space<hbm>>
    tpu.wait_dma2 semaphore(%arg14 : memref<!tpu.dma_semaphore, #tpu.memory_space<semaphore_mem>>) src(%arg10 : memref<4x4096xf32, #tpu.memory_space<vmem>>) dst(%dma_wait3A_102 : memref<4x4096xf32, #tpu.memory_space<hbm>>)
    return
  }
}

</mosaic_0001>

<sc_bundles>
// kernel: kernel.3.cloned.1.call-start
scs
__scs_entry_jumppad:
0x0: {  	(pc) =	sbr.rel $0x88, $3  }
0x1: {  	(tag) =	ssettag $0x0;
	lr =	simm.s32 $0x1  }
0x2: {  	[smem:$0x3F9F] =	sst lr;
	_ =	strace $0xD0000000  }
0x3: {  	_ = 	snop  }
0x4: {  	_ = 	snop  }
0x5: {  	_ = 	snop  }
0x6: {  	_ = 	snop  }
0x7: {  	_ = 	snop  }
__scs_overlays_trampoline_lowered:
0x8: {  	[smem:$0x3FAE] =	sst s0  }
0x9: {  	[smem:$0x3FAF] =	sst s1  }
0xa: {  	[smem:$0x3FB0] =	sst s2  }
0xb: {  	[smem:$0x3FB1] =	sst s3  }
0xc: {  	[smem:$0x3FB2] =	sst s4  }
0xd: {  	[smem:$0x3FB3] =	sst s5  }
0xe: {  	[smem:$0x3FB4] =	sst s6  }
0xf: {  	[smem:$0x3FB5] =	sst s7  }
0x10: {  	[smem:$0x3FB6] =	sst s8  }
0x11: {  	[smem:$0x3FB7] =	sst s9;
	s0 =	simm.s32 @!p0 $0x0  }
0x12: {  	s1 =	sld [smem:$0x3F9D];
	s0 =	simm.s32 @p0 $0x1  }
0x13: {  	[smem:$0x3FB8] =	sst s0;
	s0 =	simm.s32 @!p1 $0x0  }
0x14: {  	s2 =	sld [smem:$0x3F9C];
	s0 =	simm.s32 @p1 $0x1  }
0x15: {  	[smem:$0x3FB9] =	sst s0;
	s0 =	simm.s32 @!p2 $0x0  }
0x16: {  	s3 =	sld [smem:$0x3FDB];
	s0 =	simm.s32 @p2 $0x1  }
0x17: {  	s4 =	simm.s32 $0x1BF5;
	[smem:$0x3FBB] =	sst s0  }
0x18: {  	s0 =	sld [smem:$0x3F9E];
	_ =	swait.ge [sflag:s4], $0x0  }
0x19: {  	s7 =	sld [smem:$0x3F9F]  }
0x1a: {  	s8 =	sadd.s32 $0xFFFFE003, lr  }
0x1b: {  	s9 =	sadd.s32 $0xFFFFFEF7, lr;
	s5 =	simm.s32 $0xFFFFFFFF;
	p2 =	slt.u32 s8, $0xFFFFF086  }
0x1c: {  	p1 =	slt.u32 s9, $0xF7A;
	s5 =	simm.s32 @!p2 $0x0  }
0x1d: {  	s5 =	simm.s32 @p1 $0x1;
	p0 =	seq.s32 s7, s2  }
0x1e: {  	s7 =	smul.u32 @!p0 $0xF7A, s2;
	p2 =	seq.s32 @!p0 s5, $0x0  }
0x1f: {  	s9 =	smul.u32 $0xF7A, s1;
	s8 =	simm.s32 @!p0 $0x1BF5;
	p2 =	por !p2, p0  }
0x20: {  	[sflag:s8] =	ssyncset.s32 @!p0 $0xFFFFF086;
	s6 =	sadd.s32 @!p0 s3, s7;
	s7 =	simm.s32 @!p0 $0x108  }
0x21: {  	s3 =	sadd.s32 s3, s9;
	s6 =	sadd.s32 @!p0 $0x88, s6;
	s7 =	simm.s32 @p2 $0x1082  }
0x22: {  	[simem:s7], [sflag:s8] =	dma.local @!p0 [hbm:s6], $0xF7A  }
0x23: {  	s9 =	sor.u32 $0xD0000000, s2;
	s6 =	simm.s32 $0x108;
	_ =	swait.ge @!p0 [sflag:s8], $0x0  }
0x24: {  	s3 =	sadd.s32 $0x88, s3;
	s6 =	simm.s32 @!p1 $0x1082;
	[sflag:s4] =	ssyncset.s32 $0xFFFFF086  }
0x25: {  	[simem:s6], [sflag:s4] =	dma.local [hbm:s3], $0xF7A  }
0x26: {  	[smem:$0x3F9F] =	sst s1;
	(tag) =	ssettag s2;
	_ =	strace s9  }
0x27: {  	s1 =	sld [smem:$0x3FAF]  }
0x28: {  	s2 =	sld [smem:$0x3FB0]  }
0x29: {  	s4 =	sld [smem:$0x3FB2]  }
0x2a: {  	p0 =	seq.s32 s5, $0x0;
	s5 =	sld [smem:$0x3FB3]  }
0x2b: {  	s6 =	sld [smem:$0x3FB4]  }
0x2c: {  	s7 =	sld [smem:$0x3FB5]  }
0x2d: {  	s3 =	simm.s32 $0x108;
	s8 =	sld [smem:$0x3FB6]  }
0x2e: {  	s3 =	simm.s32 @!p0 $0x1082;
	s9 =	sld [smem:$0x3FB7]  }
0x2f: {  	lr =	sadd.s32 s0, s3;
	s0 =	sld [smem:$0x3FAE]  }
0x30: {  	s3 =	sld [smem:$0x3FB1]  }
0x31: {  	[smem:$0x3FBA] =	sst s10  }
0x32: {  	s10 =	sld [smem:$0x3FB8];
	_ =	sdelay $0x3  }
0x33: {  	p0 =	seq.s32 s10, $0x1;
	s10 =	sld [smem:$0x3FBA];
	_ =	sdelay $0x3  }
0x34: {  	[smem:$0x3FBA] =	sst s10  }
0x35: {  	s10 =	sld [smem:$0x3FB9];
	_ =	sdelay $0x3  }
0x36: {  	p1 =	seq.s32 s10, $0x1;
	s10 =	sld [smem:$0x3FBA];
	_ =	sdelay $0x3  }
0x37: {  	[smem:$0x3FBA] =	sst s10  }
0x38: {  	s10 =	sld [smem:$0x3FBB]  }
0x39: {  	_ = 	snop;
	(pc) =	sbr.ind lr, $3  }
0x3a: {  	_ = 	snop  }
0x3b: {  	_ = 	snop  }
0x3c: {  	p2 =	seq.s32 s10, $0x1;
	s10 =	sld [smem:$0x3FBA]  }
0x3d: {  	_ =	shalt  }
0x3e: {  	_ =	shalt  }
0x3f: {  	_ =	shalt  }
0x40: {  	_ =	shalt  }
0x41: {  	_ =	shalt  }
0x42: {  	_ =	shalt  }
0x43: {  	_ =	shalt  }
0x44: {  	_ =	shalt  }
0x45: {  	_ =	shalt  }
0x46: {  	_ =	shalt  }
0x47: {  	_ =	shalt  }
0x48: {  	_ =	shalt  }
0x49: {  	_ =	shalt  }
0x4a: {  	_ =	shalt  }
0x4b: {  	_ =	shalt  }
0x4c: {  	_ =	shalt  }
0x4d: {  	_ =	shalt  }
0x4e: {  	_ =	shalt  }
0x4f: {  	_ =	shalt  }
0x50: {  	_ =	shalt  }
0x51: {  	_ =	shalt  }
0x52: {  	_ =	shalt  }
0x53: {  	_ =	shalt  }
0x54: {  	_ =	shalt  }
0x55: {  	_ =	shalt  }
0x56: {  	_ =	shalt  }
0x57: {  	_ =	shalt  }
0x58: {  	_ =	shalt  }
0x59: {  	_ =	shalt  }
0x5a: {  	_ =	shalt  }
0x5b: {  	_ =	shalt  }
0x5c: {  	_ =	shalt  }
0x5d: {  	_ =	shalt  }
0x5e: {  	_ =	shalt  }
0x5f: {  	_ =	shalt  }
0x60: {  	_ =	shalt  }
0x61: {  	_ =	shalt  }
0x62: {  	_ =	shalt  }
0x63: {  	_ =	shalt  }
0x64: {  	_ =	shalt  }
0x65: {  	_ =	shalt  }
0x66: {  	_ =	shalt  }
0x67: {  	_ =	shalt  }
0x68: {  	_ =	shalt  }
0x69: {  	_ =	shalt  }
0x6a: {  	_ =	shalt  }
0x6b: {  	_ =	shalt  }
0x6c: {  	_ =	shalt  }
0x6d: {  	_ =	shalt  }
0x6e: {  	_ =	shalt  }
0x6f: {  	_ =	shalt  }
0x70: {  	_ =	shalt  }
0x71: {  	_ =	shalt  }
0x72: {  	_ =	shalt  }
0x73: {  	_ =	shalt  }
0x74: {  	_ =	shalt  }
0x75: {  	_ =	shalt  }
0x76: {  	_ =	shalt  }
0x77: {  	_ =	shalt  }
0x78: {  	_ =	shalt  }
0x79: {  	_ =	shalt  }
0x7a: {  	_ =	shalt  }
0x7b: {  	_ =	shalt  }
0x7c: {  	_ =	shalt  }
0x7d: {  	_ =	shalt  }
0x7e: {  	_ =	shalt  }
0x7f: {  	_ =	shalt  }
0x80: {  	_ =	shalt  }
0x81: {  	_ =	shalt  }
0x82: {  	_ =	shalt  }
0x83: {  	_ =	shalt  }
0x84: {  	_ =	shalt  }
0x85: {  	_ =	shalt  }
0x86: {  	_ =	shalt  }
0x87: {  	_ =	shalt  }
.Lfunc_end0:
.L_simem_size_0:
called_computation_lowered:
.L_overlay_start_0:
0x88: {  	s2 =	sld [smem:$0x3FD9]  }
0x89: {  	s3 =	sld [smem:$0x3FFE];
	_ =	sdelay $0x1  }
0x8a: {  	s1 =	srdreg.scid  }
0x8b: {  	s0 =	sand.u32 $0x1, s1  }
0x8c: {  	s18 =	sshll.u32 s0, $0xA;
	s2 =	sadd.s32 s3, s2  }
0x8d: {  	s2 =	sadd.s32 s2, s18  }
0x8e: {  	[smem:$0x3FC6] =	sst s2  }
0x8f: {  	_ = 	snop  }
0x90: {  	s2 =	sld [smem:$0x3FC9]  }
0x91: {  	s19 =	sld [smem:$0x3FC8]  }
0x92: {  	s4 =	sld [smem:$0x3FD0];
	(tm) =	ssettm $0x1  }
0x93: {  	s5 =	sld [smem:$0x3FFB];
	_ =	sdelay $0x3  }
0x94: {  	_ =	strace s5  }
0x95: {  	s5 =	sld [smem:$0x3FFC];
	_ =	sdelay $0x3  }
0x96: {  	_ =	strace s5  }
0x97: {  	s5 =	sld [smem:$0x3FFD];
	_ =	sdelay $0x3  }
0x98: {  	_ =	strace s5  }
0x99: {  	_ =	strace $0x8FFFFFFF  }
0x9a: {  	s20 =	sld [smem:$0x3FDB];
	_ =	sdelay $0x1  }
0x9b: {  	s6 =	simm.s32 $_scs_section_size  }
0x9c: {  	s7 =	simm.s32 $_size__tile_overlayer_lowered;
	s8 =	simm.s32 $_tile_overlayer_lowered  }
0x9d: {  	s23 =	simm.s32 $0x1BFF;
	s22 =	sshll.u32 s8, $0x1;
	s5 =	sadd.s32 s6, s20  }
0x9e: {  	s9 =	simm.s32 $0x0;
	s21 =	sshll.u32 s7, $0x1;
	s7 =	sadd.s32 s22, s5  }
0x9f: {  	[timem:s9], [sflag:s23] =	dma.local [hbm:s7], s21  }
0xa0: {  	_ =	swait.ge [sflag:s23], s21  }
0xa1: {  	s6 =	ssub.s32 $0x0, s21;
	[sflag:s23] =	ssyncset.done $0x0  }
0xa2: {  	[sflag:s23] =	ssyncadd.s32 s6;
	_ =	sdelay $0x1  }
0xa3: {  	s24 =	simm.s32 $0x1B8B  }
0xa4: {  	_ =	swait.ge [sflag:s24], $0x1  }
0xa5: {  	[sflag:s24] =	ssyncset.done $0x0  }
0xa6: {  	s25 =	simm.s32 $0x1B8E;
	[sflag:s24] =	ssyncadd.s32 $0xFFFFFFFF  }
0xa7: {  	s26 =	simm.s32 $execute0_lowered;
	[smem:$0x3FD2] =	sst s25  }
0xa8: {  	s6 =	sshll.u32 s26, $0x1;
	_ =	strace $0x80000046;
	[dreg:$0x1] =	wrdreg $0xFFFFFFFF  }
0xa9: {  	s28 =	simm.s32 $_size_execute0_lowered;
	s5 =	sadd.s32 s5, s6;
	[dreg:$0x0] =	wrdreg $0x0  }
0xaa: {  	s6 =	sshll.u32 s28, $0x1;
	[dreg:$0x2] =	wrdreg s5  }
0xab: {  	[dreg:$0x3] =	wrdreg s6  }
0xac: {  	[dreg:$0x4] =	wrdreg $0xC0  }
0xad: {  	_ =	task [dreg:s9], $0x5FFFF  }
0xae: {  	[dreg:$0x1] =	wrdreg $0xFFFFFFFF  }
0xaf: {  	[dreg:$0x0] =	wrdreg $0x60  }
0xb0: {  	[dreg:$0x2] =	wrdreg s2  }
0xb1: {  	[dreg:$0x3] =	wrdreg s19  }
0xb2: {  	[dreg:$0x4] =	wrdreg s4  }
0xb3: {  	[dreg:$0x5] =	wrdreg $0x9  }
0xb4: {  	_ =	task.clear_ibuf [dreg:s9], $0x6FFFF;
	_ =	strace $0x90000046  }
0xb5: {  	s29 =	simm.s32 $0x9;
	_ =	strace $0x80000048  }
0xb6: {  	_ =	swait.ge [sflag:s29], $0x1  }
0xb7: {  	[sflag:s29] =	ssyncadd.s32 $0xFFFFFFFF  }
0xb8: {  	_ =	strace $0x90000048  }
0xb9: {  	_ =	sfence  }
0xba: {  	s30 =	sld [smem:$0x0];
	_ =	sdelay $0x2  }
0xbb: {  	s31 =	sshll.u32 s1, $0xD;
	s1 =	sshrl.u32 s1, $0x2  }
0xbc: {  	s3 =	sand.u32 $0x4000, s31;
	s1 =	sadd.s32 s1, s30  }
0xbd: {  	s0 =	sor.u32 s3, s0;
	s1 =	sshll.u32 s1, $0x11  }
0xbe: {  	s0 =	sor.u32 s1, s0  }
0xbf: {  	s0 =	sadd.s32 $0x8F2B, s0  }
0xc0: {  	[sflag:s0] =	ssyncadd.remote.s32 $0x1  }
0xc1: {  	_ =	sfence.sel $0xFFFF  }
0xc2: {  	[dreg:$0x0] =	wrdreg $0xFFFFFFFF;
	(pc) =	sbr.abs _section_cstart, $3  }
0xc3: {  	[dreg:$0x1] =	wrdreg $0xFFFFFFFF  }
0xc4: {  	_ =	task.clear_ibuf [dreg:s9], $0x2FFFF;
	_ =	strace $0x9FFFFFFF  }
0xc5: {  	(tm) =	ssettm $0x7FFFFFFF  }
tec
execute0_lowered:
.L_overlay_start_1:
0x0: {  	(tag) =	ssettag $0x1  }
0x1: {  	s13 =	rddreg [dreg:$0x0]  }
0x2: {  	s1 =	rddreg [dreg:$0x1]  }
0x3: {  	s12 =	rddreg [dreg:$0x2];
	s4 =	srdreg.scid  }
0x4: {  	s3 =	simm.s32 $0x0;
	s2 =	stileid.u32;
	s18 =	simm.s32 $0x400  }
0x5: {  	s19 =	simm.s32 $0x1000;
	s20 =	simm.s32 $0x5000;
	s21 =	simm.s32 $0x1  }
0x6: {  	s22 =	simm.s32 $0x9000;
	s23 =	simm.s32 $0x2;
	s24 =	simm.s32 $0xD000  }
0x7: {  	s25 =	simm.s32 $0x3;
	s26 =	simm.s32 $0x4;
	s28 =	simm.s32 $0x0  }
0x8: {  	s4 =	sand.u32 $0x1, s4;
	s14 =	sshll.u32 s2, $0x13;
	[smem:$0x7FF] =	sst s3  }
0x9: {  	s5 =	ssub.s32 $0x2, s4;
	s15 =	sshll.u32 s4, $0x12;
	_ =	strace $0x80000047  }
0xa: {  	s17 =	sadd.s32 s14, s12;
	s30 =	sshrl.u32 s5, $0x1;
	s6 =	sor.u32 s15, s14  }
0xb: {  	s31 =	sadd.s32 s15, s17;
	s14 =	sadd.s32 s14, s13;
	s17 =	simm.s32 $0x200  }
0xc: {  	s16 =	ssub.s32 s5, s30;
	s8 =	sor.u32 $0x40, s6;
	s4 =	sadd.s32 s13, s6  }
0xd: {  	s6 =	sadd.s32 s6, s12;
	s14 =	sadd.s32 s15, s14;
	s5 =	sadd.s32 s13, s8  }
0xe: {  	s7 =	sadd.s32 $0x1000, s4;
	s8 =	sadd.s32 s12, s8;
	s9 =	sadd.s32 $0x1040, s4  }
0xf: {  	s10 =	sadd.s32 $0x3F000, s6;
	s11 =	sadd.s32 $0x3F040, s6;
	s12 =	smax.u32 s16, $0x1  }
0x10: {  	s13 =	sadd.s32 $0x1040, s31;
	s15 =	sadd.s32 $0x1000, s6;
	s16 =	simm.s32 $0x5  }
.LBB2_1:
0x11: {  	[tilespmem:s3], [sflag:$0x5] =	stream.linear.gather [hbm4b:s1+s3], $0x1000, $0x38;
	[tilespmem:$0x11000] =	vst v63  }
0x12: {  	_ =	swait.ge [sflag:s16], $0x1000  }
0x13: {  	[sflag:s16] =	ssyncset.done $0x0  }
0x14: {  	[sflag:s16] =	ssyncadd.s32 $0xFFFFF000  }
0x15: {  	[tilespmem:s19], [sflag:$0x1] =	stream.strided.gather [hbm4b:s4+s17], $0x4000, s18, s17, $0x38;
	[tilespmem:$0x11000] =	vst v63  }
0x16: {  	_ = 	snop  }
0x17: {  	[tilespmem:s20], [sflag:$0x2] =	stream.strided.gather [hbm4b:s5+s17], $0x4000, s18, s17, $0x38;
	[tilespmem:$0x11000] =	vst v63  }
0x18: {  	_ =	swait.ge [sflag:s21], $0x4000  }
0x19: {  	[sflag:s21] =	ssyncset.done $0x0  }
0x1a: {  	[sflag:s21] =	ssyncadd.s32 $0xFFFFC000  }
0x1b: {  	[hbm4b:s6+s17] =	stream.strided.scatter [tilespmem:s22], [sflag:$0x3], $0x4000, s18, s17, $0x38;
	[tilespmem:$0x11000] =	vst v63  }
0x1c: {  	_ = 	snop  }
0x1d: {  	[tilespmem:s19], [sflag:$0x1] =	stream.strided.gather [hbm4b:s7+s17], $0x4000, s18, s17, $0x38;
	[tilespmem:$0x11000] =	vst v63  }
0x1e: {  	_ =	swait.ge [sflag:s23], $0x4000  }
0x1f: {  	[sflag:s23] =	ssyncset.done $0x0  }
0x20: {  	[sflag:s23] =	ssyncadd.s32 $0xFFFFC000  }
0x21: {  	[hbm4b:s8+s17] =	stream.strided.scatter [tilespmem:s24], [sflag:$0x4], $0x4000, s18, s17, $0x38;
	[tilespmem:$0x11000] =	vst v63  }
0x22: {  	_ = 	snop  }
0x23: {  	[tilespmem:s20], [sflag:$0x2] =	stream.strided.gather [hbm4b:s9+s17], $0x4000, s18, s17, $0x38;
	[tilespmem:$0x11000] =	vst v63  }
0x24: {  	_ =	swait.ge [sflag:s21], $0x4000  }
0x25: {  	[sflag:s21] =	ssyncset.done $0x0  }
0x26: {  	[sflag:s21] =	ssyncadd.s32 $0xFFFFC000  }
0x27: {  	_ =	swait.ge [sflag:s25], $0x4000  }
0x28: {  	[sflag:s25] =	ssyncset.done $0x0  }
0x29: {  	s29 =	sadd.s32 $0x0, s15;
	s30 =	sadd.s32 $0x0, s14;
	[sflag:s25] =	ssyncadd.s32 $0xFFFFC000  }
0x2a: {  	[hbm4b:s29+s17] =	stream.strided.scatter [tilespmem:s22], [sflag:$0x3], $0x4000, s18, s17, $0x38;
	[tilespmem:$0x11000] =	vst v63  }
0x2b: {  	s29 =	sadd.s32 $0x2000, s30  }
0x2c: {  	[tilespmem:s19], [sflag:$0x1] =	stream.strided.gather [hbm4b:s29+s17], $0x4000, s18, s17, $0x38;
	[tilespmem:$0x11000] =	vst v63  }
0x2d: {  	_ =	swait.ge [sflag:s23], $0x4000  }
0x2e: {  	[sflag:s23] =	ssyncset.done $0x0  }
0x2f: {  	[sflag:s23] =	ssyncadd.s32 $0xFFFFC000  }
0x30: {  	_ =	swait.ge [sflag:s26], $0x4000  }
0x31: {  	[sflag:s26] =	ssyncset.done $0x0  }
0x32: {  	s29 =	sadd.s32 $0x0, s13;
	[sflag:s26] =	ssyncadd.s32 $0xFFFFC000  }
0x33: {  	[hbm4b:s29+s17] =	stream.strided.scatter [tilespmem:s24], [sflag:$0x4], $0x4000, s18, s17, $0x38;
	[tilespmem:$0x11000] =	vst v63  }
0x34: {  	s30 =	sadd.s32 $0x2040, s30;
	s29 =	simm.s32 $0x1000  }
.LBB2_2:
0x35: {  	[tilespmem:s20], [sflag:$0x2] =	stream.strided.gather [hbm4b:s30+s17], $0x4000, s18, s17, $0x38;
	[tilespmem:$0x11000] =	vst v63  }
0x36: {  	s30 =	smov.u32 s29  }
0x37: {  	p0 =	sne.s32 s29, $0x3D000;
	s29 =	sadd.s32 $0x1000, s29;
	_ =	swait.ge [sflag:s21], $0x4000  }
0x38: {  	[sflag:s21] =	ssyncset.done $0x0  }
0x39: {  	[sflag:s21] =	ssyncadd.s32 $0xFFFFC000  }
0x3a: {  	_ =	swait.ge [sflag:s25], $0x4000  }
0x3b: {  	[sflag:s25] =	ssyncset.done $0x0  }
0x3c: {  	s31 =	sadd.s32 s30, s15;
	s0 =	sadd.s32 s30, s14;
	[sflag:s25] =	ssyncadd.s32 $0xFFFFC000  }
0x3d: {  	[hbm4b:s31+s17] =	stream.strided.scatter [tilespmem:s22], [sflag:$0x3], $0x4000, s18, s17, $0x38;
	[tilespmem:$0x11000] =	vst v63  }
0x3e: {  	s31 =	sadd.s32 $0x2000, s0  }
0x3f: {  	[tilespmem:s19], [sflag:$0x1] =	stream.strided.gather [hbm4b:s31+s17], $0x4000, s18, s17, $0x38;
	[tilespmem:$0x11000] =	vst v63  }
0x40: {  	_ =	swait.ge [sflag:s23], $0x4000  }
0x41: {  	[sflag:s23] =	ssyncset.done $0x0  }
0x42: {  	[sflag:s23] =	ssyncadd.s32 $0xFFFFC000  }
.Ltmp0:
0x43: {  	_ =	swait.ge [sflag:s26], $0x4000;
	(pc) =	sbr.rel @p0 .LBB2_2-.Ltmp0, $4  }
0x44: {  	[sflag:s26] =	ssyncset.done $0x0  }
0x45: {  	s30 =	sadd.s32 s30, s13;
	[sflag:s26] =	ssyncadd.s32 $0xFFFFC000  }
0x46: {  	[hbm4b:s30+s17] =	stream.strided.scatter [tilespmem:s24], [sflag:$0x4], $0x4000, s18, s17, $0x38;
	[tilespmem:$0x11000] =	vst v63  }
0x47: {  	s30 =	sadd.s32 $0x2040, s0  }
0x48: {  	[tilespmem:s20], [sflag:$0x2] =	stream.strided.gather [hbm4b:s30+s17], $0x4000, s18, s17, $0x38;
	[tilespmem:$0x11000] =	vst v63  }
0x49: {  	_ =	swait.ge [sflag:s21], $0x4000  }
0x4a: {  	[sflag:s21] =	ssyncset.done $0x0  }
0x4b: {  	[sflag:s21] =	ssyncadd.s32 $0xFFFFC000  }
0x4c: {  	_ =	swait.ge [sflag:s25], $0x4000  }
0x4d: {  	[sflag:s25] =	ssyncset.done $0x0  }
0x4e: {  	[sflag:s25] =	ssyncadd.s32 $0xFFFFC000  }
0x4f: {  	[hbm4b:s10+s17] =	stream.strided.scatter [tilespmem:s22], [sflag:$0x3], $0x4000, s18, s17, $0x38;
	[tilespmem:$0x11000] =	vst v63  }
0x50: {  	_ =	swait.ge [sflag:s23], $0x4000  }
0x51: {  	[sflag:s23] =	ssyncset.done $0x0  }
0x52: {  	[sflag:s23] =	ssyncadd.s32 $0xFFFFC000  }
0x53: {  	_ =	swait.ge [sflag:s26], $0x4000  }
0x54: {  	[sflag:s26] =	ssyncset.done $0x0  }
0x55: {  	s28 =	sadd.s32 $0x1, s28;
	[sflag:s26] =	ssyncadd.s32 $0xFFFFC000  }
0x56: {  	[hbm4b:s11+s17] =	stream.strided.scatter [tilespmem:s24], [sflag:$0x4], $0x4000, s18, s17, $0x38;
	[tilespmem:$0x11000] =	vst v63  }
0x57: {  	p0 =	sne.s32 s28, s12;
	_ =	swait.ge [sflag:s25], $0x4000  }
.Ltmp1:
0x58: {  	[sflag:s25] =	ssyncset.done $0x0;
	(pc) =	sbr.rel @p0 .LBB2_1-.Ltmp1, $4  }
0x59: {  	[sflag:s25] =	ssyncadd.s32 $0xFFFFC000  }
0x5a: {  	_ =	swait.ge [sflag:s26], $0x4000  }
0x5b: {  	[sflag:s26] =	ssyncset.done $0x0  }
0x5c: {  	[sflag:s26] =	ssyncadd.s32 $0xFFFFC000  }
0x5d: {  	_ =	sfence.sel $0x180000  }
0x5e: {  	[bflag:$0x0] =	sbarrier.arrive $0xFFFF  }
0x5f: {  	_ =	strace $0x90000047  }
0x60: {  	[bflag:$0x2] =	sbarrier.arrive $0xFFFF  }
0x61: {  	p0 =	sne.s32 s2, $0x0;
	s0 =	rddreg [dreg:$0x3]  }
0x62: {  	s0 =	sadd.s32 @!p0 $0x100000, s0  }
0x63: {  	[sflag:s0] =	ssyncadd.tile.s32 @!p0 $0x1;
	_ =	shalt  }
.Lfunc_end2:
_tile_overlayer_lowered:
.L_overlay_start_2:
0x64: {  	(tag) =	ssettag $0x2  }
0x65: {  	s0 =	rddreg [dreg:$0x0];
	s2 =	stileid.u32  }
0x66: {  	s1 =	rddreg [dreg:$0x1];
	p0 =	sne.s32 s2, $0x0  }
0x67: {  	s3 =	rddreg [dreg:$0x2];
	[bflag:$0x3] =	sbarrier.arrive $0xFFFF;
	s2 =	simm.s32 @!p0 $0x1C05  }
0x68: {  	[timem:s3], [sflag:s2] =	dma.local @!p0 [hbm:s0], s1  }
0x69: {  	s0 =	simm.s32 @!p0 $0x5  }
0x6a: {  	_ =	swait.ge @!p0 [sflag:s0], s1  }
0x6b: {  	s1 =	ssub.s32 @!p0 $0x0, s1;
	[sflag:s0] =	ssyncset.done @!p0 $0x0  }
0x6c: {  	[sflag:s0] =	ssyncadd.s32 @!p0 s1  }
0x6d: {  	[bflag:$0x3] =	sbarrier.arrive $0xFFFF  }
0x6e: {  	_ =	shalt  }

</sc_bundles>
